<compile_context>
chip_gen: v7x
topology: tpu7x:2x2x1
jax: 0.10.2.dev20260603
libtpu: 0.0.44.dev20260713+nightly
codegen_flags: <defaults>
</compile_context>

<pallas_src>
import functools

import jax
import jax.numpy as jnp
from jax import lax
from jax.experimental import pallas as pl
from jax.experimental.pallas import tpu as pltpu
from jax.experimental.pallas import tpu_sc as plsc

N_NODES = 10000
N_EDGES = 160000
D_FEAT = 256

_NC, _NS, _L = 2, 16, 16
_NW = _NC * _NS
_CT = 128
_MAIN_E = 39 * _CT
_MAIN_CHUNKS = _MAIN_E // _L
_TAIL_E0 = _NW * _MAIN_E
_TAIL_CHUNKS = _CT // _L
_BUF_E = _MAIN_E + _CT

def _node_proj_body(h_ref, w_ref, b_ref, s1_ref, s2_ref):
    w1 = w_ref[0:D_FEAT].reshape(1, D_FEAT)
    w2 = w_ref[D_FEAT:2 * D_FEAT].reshape(1, D_FEAT)
    wc = jnp.concatenate([w1, w2], axis=0)
    dn = (((1,), (1,)), ((), ()))
    r = lax.dot_general(wc, h_ref[...], dn, preferred_element_type=jnp.float32)
    half_b = 0.5 * b_ref[0]
    s1_ref[...] = r[0:1, :].reshape(N_NODES) + half_b
    s2_ref[...] = r[1:2, :].reshape(N_NODES) + half_b


def _node_projections(h, W, b):
    return pl.pallas_call(
        _node_proj_body,
        in_specs=[
            pl.BlockSpec(memory_space=pltpu.VMEM),
            pl.BlockSpec(memory_space=pltpu.VMEM),
            pl.BlockSpec(memory_space=pltpu.SMEM),
        ],
        out_shape=[
            jax.ShapeDtypeStruct((N_NODES,), jnp.float32),
            jax.ShapeDtypeStruct((N_NODES,), jnp.float32),
        ],
    )(h, W.reshape(2 * D_FEAT), b)


_sc_mesh = plsc.VectorSubcoreMesh(core_axis_name="c", subcore_axis_name="s")


@functools.partial(
    pl.kernel,
    out_type=jax.ShapeDtypeStruct((N_EDGES,), jnp.float32),
    mesh=_sc_mesh,
    compiler_params=pltpu.CompilerParams(needs_layout_passes=False),
    scratch_types=[
        pltpu.VMEM((N_NODES,), jnp.float32),
        pltpu.VMEM((N_NODES,), jnp.float32),
        pltpu.VMEM((2, _BUF_E), jnp.int32),
        pltpu.VMEM((_BUF_E,), jnp.float32),
        pltpu.SemaphoreType.DMA,
    ],
)
def _edge_score_kernel(s1_hbm, s2_hbm, ei_hbm, out_hbm,
                       s1_v, s2_v, ei_v, o_v, sem):
    wid = lax.axis_index("s") * _NC + lax.axis_index("c")
    base = wid * _MAIN_E
    has_tail = wid < 2

    d1 = pltpu.async_copy(s1_hbm, s1_v, sem)
    d2 = pltpu.async_copy(s2_hbm, s2_v, sem)
    d3 = pltpu.async_copy(ei_hbm.at[:, pl.ds(base, _MAIN_E)],
                          ei_v.at[:, pl.ds(0, _MAIN_E)], sem)

    @pl.when(has_tail)
    def _tail_idx():
        pltpu.async_copy(ei_hbm.at[:, pl.ds(_TAIL_E0 + wid * _CT, _CT)],
                         ei_v.at[:, pl.ds(_MAIN_E, _CT)], sem).wait()

    d1.wait()
    d2.wait()
    d3.wait()

    def score_chunk(off):
        si = ei_v[0, pl.ds(off, _L)]
        di = ei_v[1, pl.ds(off, _L)]
        x = plsc.load_gather(s1_v, [si]) + plsc.load_gather(s2_v, [di])
        o_v[pl.ds(off, _L)] = 1.0 / (1.0 + jnp.exp(-x))

    @plsc.parallel_loop(0, _MAIN_CHUNKS, unroll=8)
    def _main(i):
        score_chunk(pl.multiple_of(i * _L, _L))

    @pl.when(has_tail)
    def _tail():
        @plsc.parallel_loop(0, _TAIL_CHUNKS, unroll=8)
        def _t(i):
            score_chunk(pl.multiple_of(_MAIN_E + i * _L, _L))

    pltpu.sync_copy(o_v.at[pl.ds(0, _MAIN_E)],
                    out_hbm.at[pl.ds(base, _MAIN_E)])

    @pl.when(has_tail)
    def _tail_out():
        pltpu.sync_copy(o_v.at[pl.ds(_MAIN_E, _CT)],
                        out_hbm.at[pl.ds(_TAIL_E0 + wid * _CT, _CT)])


def kernel(h, edge_index, W, b):
    s1, s2 = _node_projections(h, W, b)
    return _edge_score_kernel(s1, s2, edge_index)

# --- scband reference (transcript-rebuilt; emitter-appended) ---
"""Pipeline reference for scband-edge-scorer-58145267253640 (READ-ONLY COPY).

The authoritative reference and input builder live on the scoring server;
editing this copy changes nothing except your own understanding.
"""

import jax, jax.numpy as jnp
import numpy as np

N_NODES = 10000
N_EDGES = 160000
D_FEAT = 256


def setup_inputs(seed: int = 0) -> dict:
    key = jax.random.key(seed)
    k1, k2, k3, k4 = jax.random.split(key, 4)
    h = jax.random.normal(k1, (N_NODES, D_FEAT), dtype=jnp.float32)
    edge_index = jax.random.randint(k2, (2, N_EDGES), 0, N_NODES, dtype=jnp.int32)
    # nn.Linear(2*n_feats, 1): weight [1, 2d] -> store transposed [2d, 1], bias [1]
    bound = 1.0 / np.sqrt(2 * D_FEAT)
    W = jax.random.uniform(k3, (2 * D_FEAT, 1), dtype=jnp.float32, minval=-bound, maxval=bound)
    b = jax.random.uniform(k4, (1,), dtype=jnp.float32, minval=-bound, maxval=bound)
    return {"h": h, "edge_index": edge_index, "W": W, "b": b}


def reference(h, edge_index, W, b):
    # DGL apply_edges: per-edge concat(src_h, dst_h) -> Linear -> sigmoid -> squeeze
    src = edge_index[0]
    dst = edge_index[1]
    h_src = jnp.take(h, src, axis=0)   # gather [E, d]
    h_dst = jnp.take(h, dst, axis=0)   # gather [E, d]
    x = jnp.concatenate([h_src, h_dst], axis=1)  # [E, 2d]
    score = jax.nn.sigmoid(x @ W + b)            # [E, 1]
    return score.squeeze(1)                      # [E]

if __name__ == "__main__":
    import jax
    _d = setup_inputs()
    print(jax.jit(kernel)(*tuple(_d.values())))

</pallas_src>

<mosaic_0001>
#map = affine_map<(d0, d1) -> (0)>
#map1 = affine_map<(d0, d1) -> (0, 0)>
module attributes {stable_mosaic.version = 14 : i64} {
  func.func @_edge_score_kernel(%arg0: i32, %arg1: i32, %arg2: memref<10000xf32, #tpu.memory_space<hbm>>, %arg3: memref<10000xf32, #tpu.memory_space<hbm>>, %arg4: memref<2x160000xi32, #tpu.memory_space<hbm>>, %arg5: memref<160000xf32, #tpu.memory_space<hbm>>, %arg6: memref<10000xf32, #tpu.memory_space<vmem>>, %arg7: memref<10000xf32, #tpu.memory_space<vmem>>, %arg8: memref<2x5120xi32, #tpu.memory_space<vmem>>, %arg9: memref<5120xf32, #tpu.memory_space<vmem>>, %arg10: memref<!tpu.dma_semaphore, #tpu.memory_space<semaphore_mem>>) attributes {dimension_semantics = [#tpu.dimension_semantics<core_parallel>, #tpu.dimension_semantics<subcore_parallel>], iteration_bounds = array<i64: 2, 16>, scalar_prefetch = 0 : i64, scratch_operands = 5 : i64, tpu.core_type = #tpu.core_type<sc_vector_subcore>, window_params = [{transform_indices = #map}, {transform_indices = #map}, {transform_indices = #map1}, {transform_indices = #map}]} {
    %mul3A = arith.constant 2 : i32
    %mul3A_0 = arith.muli %arg1, %mul3A : i32
    %add3A = arith.addi %mul3A_0, %arg0 : i32
    %mul3A_1 = arith.constant 4992 : i32
    %mul3A_2 = arith.muli %add3A, %mul3A_1 : i32
    %lt3A = arith.constant 2 : i32
    %lt3A_3 = arith.cmpi slt, %add3A, %lt3A : i32
    tpu.enqueue_dma source(%arg2 : memref<10000xf32, #tpu.memory_space<hbm>>) target(%arg6 : memref<10000xf32, #tpu.memory_space<vmem>>) target_semaphore(%arg10 : memref<!tpu.dma_semaphore, #tpu.memory_space<semaphore_mem>>)
    tpu.enqueue_dma source(%arg3 : memref<10000xf32, #tpu.memory_space<hbm>>) target(%arg7 : memref<10000xf32, #tpu.memory_space<vmem>>) target_semaphore(%arg10 : memref<!tpu.dma_semaphore, #tpu.memory_space<semaphore_mem>>)
    %dma_start3A = arith.constant 0 : i32
    %dma_start3A_4 = arith.constant 0 : i32
    %dma_start3A_5 = tpu.memref_slice %arg8[%dma_start3A, %dma_start3A_4] : memref<2x5120xi32, #tpu.memory_space<vmem>> -> memref<2x4992xi32, #tpu.memory_space<vmem>>
    %dma_start3A_6 = arith.constant 0 : i32
    %dma_start3A_7 = tpu.memref_slice %arg4[%dma_start3A_6, %mul3A_2] : memref<2x160000xi32, #tpu.memory_space<hbm>> -> memref<2x4992xi32, #tpu.memory_space<hbm>>
    %dma_start3A_8 = arith.constant 0 : i32
    %dma_start3A_9 = arith.constant 0 : i32
    %dma_start3A_10 = tpu.memref_slice %arg8[%dma_start3A_8, %dma_start3A_9] : memref<2x5120xi32, #tpu.memory_space<vmem>> -> memref<2x4992xi32, #tpu.memory_space<vmem>>
    %dma_start3A_11 = arith.constant 0 : i32
    %dma_start3A_12 = tpu.memref_slice %arg4[%dma_start3A_11, %mul3A_2] : memref<2x160000xi32, #tpu.memory_space<hbm>> -> memref<2x4992xi32, #tpu.memory_space<hbm>>
    tpu.enqueue_dma source(%dma_start3A_12 : memref<2x4992xi32, #tpu.memory_space<hbm>>) target(%dma_start3A_10 : memref<2x4992xi32, #tpu.memory_space<vmem>>) target_semaphore(%arg10 : memref<!tpu.dma_semaphore, #tpu.memory_space<semaphore_mem>>)
    %convert_element_type3A = arith.extui %lt3A_3 : i1 to i32
    %cond3A = arith.constant 0 : i32
    %cond3A_13 = arith.cmpi ne, %convert_element_type3A, %cond3A : i32
    scf.if %cond3A_13 {
      %mul3A_31 = arith.constant 128 : i32
      %mul3A_32 = arith.muli %add3A, %mul3A_31 : i32
      %add3A_33 = arith.constant 159744 : i32
      %add3A_34 = arith.addi %add3A_33, %mul3A_32 : i32
      %dma_start3A_35 = arith.constant 0 : i32
      %dma_start3A_36 = arith.constant 4992 : i32
      %dma_start3A_37 = tpu.memref_slice %arg8[%dma_start3A_35, %dma_start3A_36] : memref<2x5120xi32, #tpu.memory_space<vmem>> -> memref<2x128xi32, #tpu.memory_space<vmem>>
      %dma_start3A_38 = arith.constant 0 : i32
      %dma_start3A_39 = tpu.memref_slice %arg4[%dma_start3A_38, %add3A_34] : memref<2x160000xi32, #tpu.memory_space<hbm>> -> memref<2x128xi32, #tpu.memory_space<hbm>>
      %dma_start3A_40 = arith.constant 0 : i32
      %dma_start3A_41 = arith.constant 4992 : i32
      %dma_start3A_42 = tpu.memref_slice %arg8[%dma_start3A_40, %dma_start3A_41] : memref<2x5120xi32, #tpu.memory_space<vmem>> -> memref<2x128xi32, #tpu.memory_space<vmem>>
      %dma_start3A_43 = arith.constant 0 : i32
      %dma_start3A_44 = tpu.memref_slice %arg4[%dma_start3A_43, %add3A_34] : memref<2x160000xi32, #tpu.memory_space<hbm>> -> memref<2x128xi32, #tpu.memory_space<hbm>>
      tpu.enqueue_dma source(%dma_start3A_44 : memref<2x128xi32, #tpu.memory_space<hbm>>) target(%dma_start3A_42 : memref<2x128xi32, #tpu.memory_space<vmem>>) target_semaphore(%arg10 : memref<!tpu.dma_semaphore, #tpu.memory_space<semaphore_mem>>)
      %dma_wait3A_45 = arith.constant 0 : i32
      %dma_wait3A_46 = arith.constant 4992 : i32
      %dma_wait3A_47 = tpu.memref_slice %arg8[%dma_wait3A_45, %dma_wait3A_46] : memref<2x5120xi32, #tpu.memory_space<vmem>> -> memref<2x128xi32, #tpu.memory_space<vmem>>
      %dma_wait3A_48 = arith.constant 0 : i32
      %dma_wait3A_49 = tpu.memref_slice %arg4[%dma_wait3A_48, %add3A_34] : memref<2x160000xi32, #tpu.memory_space<hbm>> -> memref<2x128xi32, #tpu.memory_space<hbm>>
      %dma_wait3A_50 = arith.constant 0 : i32
      %dma_wait3A_51 = arith.constant 4992 : i32
      %dma_wait3A_52 = tpu.memref_slice %arg8[%dma_wait3A_50, %dma_wait3A_51] : memref<2x5120xi32, #tpu.memory_space<vmem>> -> memref<2x128xi32, #tpu.memory_space<vmem>>
      %dma_wait3A_53 = arith.constant 0 : i32
      %dma_wait3A_54 = tpu.memref_slice %arg4[%dma_wait3A_53, %add3A_34] : memref<2x160000xi32, #tpu.memory_space<hbm>> -> memref<2x128xi32, #tpu.memory_space<hbm>>
      tpu.wait_dma2 semaphore(%arg10 : memref<!tpu.dma_semaphore, #tpu.memory_space<semaphore_mem>>) src(%dma_wait3A_54 : memref<2x128xi32, #tpu.memory_space<hbm>>) dst(%dma_wait3A_52 : memref<2x128xi32, #tpu.memory_space<vmem>>)
    } else {
    }
    tpu.wait_dma2 semaphore(%arg10 : memref<!tpu.dma_semaphore, #tpu.memory_space<semaphore_mem>>) src(%arg2 : memref<10000xf32, #tpu.memory_space<hbm>>) dst(%arg6 : memref<10000xf32, #tpu.memory_space<vmem>>)
    tpu.wait_dma2 semaphore(%arg10 : memref<!tpu.dma_semaphore, #tpu.memory_space<semaphore_mem>>) src(%arg3 : memref<10000xf32, #tpu.memory_space<hbm>>) dst(%arg7 : memref<10000xf32, #tpu.memory_space<vmem>>)
    %dma_wait3A = arith.constant 0 : i32
    %dma_wait3A_14 = arith.constant 0 : i32
    %dma_wait3A_15 = tpu.memref_slice %arg8[%dma_wait3A, %dma_wait3A_14] : memref<2x5120xi32, #tpu.memory_space<vmem>> -> memref<2x4992xi32, #tpu.memory_space<vmem>>
    %dma_wait3A_16 = arith.constant 0 : i32
    %dma_wait3A_17 = tpu.memref_slice %arg4[%dma_wait3A_16, %mul3A_2] : memref<2x160000xi32, #tpu.memory_space<hbm>> -> memref<2x4992xi32, #tpu.memory_space<hbm>>
    %dma_wait3A_18 = arith.constant 0 : i32
    %dma_wait3A_19 = arith.constant 0 : i32
    %dma_wait3A_20 = tpu.memref_slice %arg8[%dma_wait3A_18, %dma_wait3A_19] : memref<2x5120xi32, #tpu.memory_space<vmem>> -> memref<2x4992xi32, #tpu.memory_space<vmem>>
    %dma_wait3A_21 = arith.constant 0 : i32
    %dma_wait3A_22 = tpu.memref_slice %arg4[%dma_wait3A_21, %mul3A_2] : memref<2x160000xi32, #tpu.memory_space<hbm>> -> memref<2x4992xi32, #tpu.memory_space<hbm>>
    tpu.wait_dma2 semaphore(%arg10 : memref<!tpu.dma_semaphore, #tpu.memory_space<semaphore_mem>>) src(%dma_wait3A_22 : memref<2x4992xi32, #tpu.memory_space<hbm>>) dst(%dma_wait3A_20 : memref<2x4992xi32, #tpu.memory_space<vmem>>)
    %parallel_loop3A = arith.constant 0 : i32
    %parallel_loop3A_23 = arith.constant 312 : i32
    %parallel_loop3A_24 = arith.constant 1 : i32
    scf.for %parallel_loop3A_31 = %parallel_loop3A to %parallel_loop3A_23 step %parallel_loop3A_24  : i32 {
      %parallel_loop3A_32 = arith.constant 16 : i32
      %parallel_loop3A_33 = arith.muli %parallel_loop3A_31, %parallel_loop3A_32 : i32
      %parallel_loop3A_34 = tpu.assume_multiple %parallel_loop3A_33, 16 : i32
      %parallel_loop3A_35 = arith.constant 0 : i32
      %parallel_loop3A_36 = arith.index_cast %parallel_loop3A_35 : i32 to index
      %parallel_loop3A_37 = arith.index_cast %parallel_loop3A_34 : i32 to index
      %parallel_loop3A_38 = tpu.vector_load %arg8[%parallel_loop3A_36, %parallel_loop3A_37] {strides = array<i32>} : memref<2x5120xi32, #tpu.memory_space<vmem>>, vector<16xi32>,
      %parallel_loop3A_39 = arith.constant 1 : i32
      %parallel_loop3A_40 = arith.index_cast %parallel_loop3A_39 : i32 to index
      %parallel_loop3A_41 = arith.index_cast %parallel_loop3A_34 : i32 to index
      %parallel_loop3A_42 = tpu.vector_load %arg8[%parallel_loop3A_40, %parallel_loop3A_41] {strides = array<i32>} : memref<2x5120xi32, #tpu.memory_space<vmem>>, vector<16xi32>,
      %parallel_loop3A_43 = tpu.vector_load_idx %arg6[%parallel_loop3A_38] : memref<10000xf32, #tpu.memory_space<vmem>>[vector<16xi32>], vector<16xf32>,
      %parallel_loop3A_44 = tpu.vector_load_idx %arg7[%parallel_loop3A_42] : memref<10000xf32, #tpu.memory_space<vmem>>[vector<16xi32>], vector<16xf32>,
      %parallel_loop3A_45 = arith.addf %parallel_loop3A_43, %parallel_loop3A_44 : vector<16xf32>
      %parallel_loop3A_46 = arith.constant 0.000000e+00 : f32
      %parallel_loop3A_47 = vector.broadcast %parallel_loop3A_46 : f32 to vector<16xf32>
      %parallel_loop3A_48 = arith.subf %parallel_loop3A_47, %parallel_loop3A_45 : vector<16xf32>
      %parallel_loop3A_49 = math.exp %parallel_loop3A_48 : vector<16xf32>
      %parallel_loop3A_50 = arith.constant 1.000000e+00 : f32
      %parallel_loop3A_51 = vector.broadcast %parallel_loop3A_50 : f32 to vector<16xf32>
      %parallel_loop3A_52 = arith.addf %parallel_loop3A_51, %parallel_loop3A_49 : vector<16xf32>
      %parallel_loop3A_53 = arith.constant 1.000000e+00 : f32
      %parallel_loop3A_54 = vector.broadcast %parallel_loop3A_53 : f32 to vector<16xf32>
      %parallel_loop3A_55 = arith.divf %parallel_loop3A_54, %parallel_loop3A_52 : vector<16xf32>
      %parallel_loop3A_56 = arith.index_cast %parallel_loop3A_34 : i32 to index
      %parallel_loop3A_57 = tpu.vector_load %arg9[%parallel_loop3A_56] {strides = array<i32>} : memref<5120xf32, #tpu.memory_space<vmem>>, vector<16xf32>,
      tpu.vector_store %arg9[%parallel_loop3A_56], %parallel_loop3A_55 {strides = array<i32>} : memref<5120xf32, #tpu.memory_space<vmem>>, vector<16xf32>,
    } {sc.loop_unroll_factor = 8 : i64, sc.parallel_access}
    %convert_element_type3A_25 = arith.extui %lt3A_3 : i1 to i32
    %cond3A_26 = arith.constant 0 : i32
    %cond3A_27 = arith.cmpi ne, %convert_element_type3A_25, %cond3A_26 : i32
    scf.if %cond3A_27 {
      %parallel_loop3A_31 = arith.constant 0 : i32
      %parallel_loop3A_32 = arith.constant 8 : i32
      %parallel_loop3A_33 = arith.constant 1 : i32
      scf.for %parallel_loop3A_34 = %parallel_loop3A_31 to %parallel_loop3A_32 step %parallel_loop3A_33  : i32 {
        %parallel_loop3A_35 = arith.constant 16 : i32
        %parallel_loop3A_36 = arith.muli %parallel_loop3A_34, %parallel_loop3A_35 : i32
        %parallel_loop3A_37 = arith.constant 4992 : i32
        %parallel_loop3A_38 = arith.addi %parallel_loop3A_37, %parallel_loop3A_36 : i32
        %parallel_loop3A_39 = tpu.assume_multiple %parallel_loop3A_38, 16 : i32
        %parallel_loop3A_40 = arith.constant 0 : i32
        %parallel_loop3A_41 = arith.index_cast %parallel_loop3A_40 : i32 to index
        %parallel_loop3A_42 = arith.index_cast %parallel_loop3A_39 : i32 to index
        %parallel_loop3A_43 = tpu.vector_load %arg8[%parallel_loop3A_41, %parallel_loop3A_42] {strides = array<i32>} : memref<2x5120xi32, #tpu.memory_space<vmem>>, vector<16xi32>,
        %parallel_loop3A_44 = arith.constant 1 : i32
        %parallel_loop3A_45 = arith.index_cast %parallel_loop3A_44 : i32 to index
        %parallel_loop3A_46 = arith.index_cast %parallel_loop3A_39 : i32 to index
        %parallel_loop3A_47 = tpu.vector_load %arg8[%parallel_loop3A_45, %parallel_loop3A_46] {strides = array<i32>} : memref<2x5120xi32, #tpu.memory_space<vmem>>, vector<16xi32>,
        %parallel_loop3A_48 = tpu.vector_load_idx %arg6[%parallel_loop3A_43] : memref<10000xf32, #tpu.memory_space<vmem>>[vector<16xi32>], vector<16xf32>,
        %parallel_loop3A_49 = tpu.vector_load_idx %arg7[%parallel_loop3A_47] : memref<10000xf32, #tpu.memory_space<vmem>>[vector<16xi32>], vector<16xf32>,
        %parallel_loop3A_50 = arith.addf %parallel_loop3A_48, %parallel_loop3A_49 : vector<16xf32>
        %parallel_loop3A_51 = arith.constant 0.000000e+00 : f32
        %parallel_loop3A_52 = vector.broadcast %parallel_loop3A_51 : f32 to vector<16xf32>
        %parallel_loop3A_53 = arith.subf %parallel_loop3A_52, %parallel_loop3A_50 : vector<16xf32>
        %parallel_loop3A_54 = math.exp %parallel_loop3A_53 : vector<16xf32>
        %parallel_loop3A_55 = arith.constant 1.000000e+00 : f32
        %parallel_loop3A_56 = vector.broadcast %parallel_loop3A_55 : f32 to vector<16xf32>
        %parallel_loop3A_57 = arith.addf %parallel_loop3A_56, %parallel_loop3A_54 : vector<16xf32>
        %parallel_loop3A_58 = arith.constant 1.000000e+00 : f32
        %parallel_loop3A_59 = vector.broadcast %parallel_loop3A_58 : f32 to vector<16xf32>
        %parallel_loop3A_60 = arith.divf %parallel_loop3A_59, %parallel_loop3A_57 : vector<16xf32>
        %parallel_loop3A_61 = arith.index_cast %parallel_loop3A_39 : i32 to index
        %parallel_loop3A_62 = tpu.vector_load %arg9[%parallel_loop3A_61] {strides = array<i32>} : memref<5120xf32, #tpu.memory_space<vmem>>, vector<16xf32>,
        tpu.vector_store %arg9[%parallel_loop3A_61], %parallel_loop3A_60 {strides = array<i32>} : memref<5120xf32, #tpu.memory_space<vmem>>, vector<16xf32>,
      } {sc.loop_unroll_factor = 8 : i64, sc.parallel_access}
    } else {
    }
    "tpu.region"() ({
      %run_scoped3A = tpu.sem_alloc : memref<!tpu.dma_semaphore, #tpu.memory_space<semaphore_mem>>
      %dma_start3A_31 = arith.constant 0 : i32
      %dma_start3A_32 = tpu.memref_slice %arg9[%dma_start3A_31] : memref<5120xf32, #tpu.memory_space<vmem>> -> memref<4992xf32, #tpu.memory_space<vmem>>
      %dma_start3A_33 = tpu.memref_slice %arg5[%mul3A_2] : memref<160000xf32, #tpu.memory_space<hbm>> -> memref<4992xf32, #tpu.memory_space<hbm>>
      %dma_start3A_34 = tpu.memref_slice %arg5[%mul3A_2] : memref<160000xf32, #tpu.memory_space<hbm>> -> memref<4992xf32, #tpu.memory_space<hbm>>
      %dma_start3A_35 = arith.constant 0 : i32
      %dma_start3A_36 = tpu.memref_slice %arg9[%dma_start3A_35] : memref<5120xf32, #tpu.memory_space<vmem>> -> memref<4992xf32, #tpu.memory_space<vmem>>
      tpu.enqueue_dma source(%dma_start3A_36 : memref<4992xf32, #tpu.memory_space<vmem>>) target(%dma_start3A_34 : memref<4992xf32, #tpu.memory_space<hbm>>) target_semaphore(%run_scoped3A : memref<!tpu.dma_semaphore, #tpu.memory_space<semaphore_mem>>)
      %dma_wait3A_37 = arith.constant 0 : i32
      %dma_wait3A_38 = tpu.memref_slice %arg9[%dma_wait3A_37] : memref<5120xf32, #tpu.memory_space<vmem>> -> memref<4992xf32, #tpu.memory_space<vmem>>
      %dma_wait3A_39 = tpu.memref_slice %arg5[%mul3A_2] : memref<160000xf32, #tpu.memory_space<hbm>> -> memref<4992xf32, #tpu.memory_space<hbm>>
      %dma_wait3A_40 = tpu.memref_slice %arg5[%mul3A_2] : memref<160000xf32, #tpu.memory_space<hbm>> -> memref<4992xf32, #tpu.memory_space<hbm>>
      %dma_wait3A_41 = arith.constant 0 : i32
      %dma_wait3A_42 = tpu.memref_slice %arg9[%dma_wait3A_41] : memref<5120xf32, #tpu.memory_space<vmem>> -> memref<4992xf32, #tpu.memory_space<vmem>>
      tpu.wait_dma2 semaphore(%run_scoped3A : memref<!tpu.dma_semaphore, #tpu.memory_space<semaphore_mem>>) src(%dma_wait3A_42 : memref<4992xf32, #tpu.memory_space<vmem>>) dst(%dma_wait3A_40 : memref<4992xf32, #tpu.memory_space<hbm>>)
      tpu.yield
    }) : () -> ()
    %convert_element_type3A_28 = arith.extui %lt3A_3 : i1 to i32
    %cond3A_29 = arith.constant 0 : i32
    %cond3A_30 = arith.cmpi ne, %convert_element_type3A_28, %cond3A_29 : i32
    scf.if %cond3A_30 {
      %mul3A_31 = arith.constant 128 : i32
      %mul3A_32 = arith.muli %add3A, %mul3A_31 : i32
      %add3A_33 = arith.constant 159744 : i32
      %add3A_34 = arith.addi %add3A_33, %mul3A_32 : i32
      "tpu.region"() ({
        %run_scoped3A = tpu.sem_alloc : memref<!tpu.dma_semaphore, #tpu.memory_space<semaphore_mem>>
        %dma_start3A_35 = arith.constant 4992 : i32
        %dma_start3A_36 = tpu.memref_slice %arg9[%dma_start3A_35] : memref<5120xf32, #tpu.memory_space<vmem>> -> memref<128xf32, #tpu.memory_space<vmem>>
        %dma_start3A_37 = tpu.memref_slice %arg5[%add3A_34] : memref<160000xf32, #tpu.memory_space<hbm>> -> memref<128xf32, #tpu.memory_space<hbm>>
        %dma_start3A_38 = tpu.memref_slice %arg5[%add3A_34] : memref<160000xf32, #tpu.memory_space<hbm>> -> memref<128xf32, #tpu.memory_space<hbm>>
        %dma_start3A_39 = arith.constant 4992 : i32
        %dma_start3A_40 = tpu.memref_slice %arg9[%dma_start3A_39] : memref<5120xf32, #tpu.memory_space<vmem>> -> memref<128xf32, #tpu.memory_space<vmem>>
        tpu.enqueue_dma source(%dma_start3A_40 : memref<128xf32, #tpu.memory_space<vmem>>) target(%dma_start3A_38 : memref<128xf32, #tpu.memory_space<hbm>>) target_semaphore(%run_scoped3A : memref<!tpu.dma_semaphore, #tpu.memory_space<semaphore_mem>>)
        %dma_wait3A_41 = arith.constant 4992 : i32
        %dma_wait3A_42 = tpu.memref_slice %arg9[%dma_wait3A_41] : memref<5120xf32, #tpu.memory_space<vmem>> -> memref<128xf32, #tpu.memory_space<vmem>>
        %dma_wait3A_43 = tpu.memref_slice %arg5[%add3A_34] : memref<160000xf32, #tpu.memory_space<hbm>> -> memref<128xf32, #tpu.memory_space<hbm>>
        %dma_wait3A_44 = tpu.memref_slice %arg5[%add3A_34] : memref<160000xf32, #tpu.memory_space<hbm>> -> memref<128xf32, #tpu.memory_space<hbm>>
        %dma_wait3A_45 = arith.constant 4992 : i32
        %dma_wait3A_46 = tpu.memref_slice %arg9[%dma_wait3A_45] : memref<5120xf32, #tpu.memory_space<vmem>> -> memref<128xf32, #tpu.memory_space<vmem>>
        tpu.wait_dma2 semaphore(%run_scoped3A : memref<!tpu.dma_semaphore, #tpu.memory_space<semaphore_mem>>) src(%dma_wait3A_46 : memref<128xf32, #tpu.memory_space<vmem>>) dst(%dma_wait3A_44 : memref<128xf32, #tpu.memory_space<hbm>>)
        tpu.yield
      }) : () -> ()
    } else {
    }
    return
  }
}

module attributes {stable_mosaic.version = 14 : i64} {
  func.func @_node_proj_body(%arg0: memref<10000x256xf32, #tpu.memory_space<vmem>>, %arg1: memref<512xf32, #tpu.memory_space<vmem>>, %arg2: memref<1xf32, #tpu.memory_space<smem>>, %arg3: memref<10000xf32, #tpu.memory_space<vmem>>, %arg4: memref<10000xf32, #tpu.memory_space<vmem>>) attributes {dimension_semantics = [], scalar_prefetch = 0 : i64, scratch_operands = 0 : i64, tpu.core_type = #tpu.core_type<tc>} {
    %get3A = arith.constant 0 : index
    %get3A_0 = vector.load %arg1[%get3A] : memref<512xf32, #tpu.memory_space<vmem>>, vector<256xf32>
    %reshape3A = vector.shape_cast %get3A_0 : vector<256xf32> to vector<1x256xf32>
    %get3A_1 = arith.constant 256 : index
    %get3A_2 = vector.load %arg1[%get3A_1] : memref<512xf32, #tpu.memory_space<vmem>>, vector<256xf32>
    %reshape3A_3 = vector.shape_cast %get3A_2 : vector<256xf32> to vector<1x256xf32>
    %concatenate3A = tpu.concatenate %reshape3A, %reshape3A_3 in 0 : vector<1x256xf32>, vector<1x256xf32> -> vector<2x256xf32>
    %get3A_4 = arith.constant 0 : index
    %get3A_5 = arith.constant 0 : index
    %get3A_6 = vector.load %arg0[%get3A_4, %get3A_5] : memref<10000x256xf32, #tpu.memory_space<vmem>>, vector<10000x256xf32>
    %dot_general3A = arith.constant dense<0.000000e+00> : vector<2x10000xf32>
    %dot_general3A_7 = tpu.matmul %concatenate3A, %get3A_6, %dot_general3A {dimension_numbers = #tpu.dot_dimension_numbers<[1], [1], [0], [0], [0, 0, 1, 0], [], []>, transpose_lhs_hint = false} : vector<2x256xf32>, vector<10000x256xf32>, vector<2x10000xf32> -> vector<2x10000xf32>
    %get3A_8 = arith.constant 0 : index
    %get3A_9 = memref.load %arg2[%get3A_8] : memref<1xf32, #tpu.memory_space<smem>>
    %mul3A = arith.constant 5.000000e-01 : f32
    %mul3A_10 = arith.mulf %mul3A, %get3A_9 : f32
    %slice3A = vector.extract_strided_slice %dot_general3A_7 {offsets = [0, 0], sizes = [1, 10000], strides = [1, 1]} : vector<2x10000xf32> to vector<1x10000xf32>
    %reshape3A_11 = vector.shape_cast %slice3A : vector<1x10000xf32> to vector<10000xf32>
    %add3A = vector.broadcast %mul3A_10 : f32 to vector<10000xf32>
    %add3A_12 = arith.addf %reshape3A_11, %add3A : vector<10000xf32>
    %swap3A = arith.constant 0 : index
    %swap3A_13 = vector.load %arg3[%swap3A] : memref<10000xf32, #tpu.memory_space<vmem>>, vector<10000xf32>
    tpu.vector_store %arg3[%swap3A], %add3A_12 {strides = array<i32>} : memref<10000xf32, #tpu.memory_space<vmem>>, vector<10000xf32>,
    %slice3A_14 = vector.extract_strided_slice %dot_general3A_7 {offsets = [1, 0], sizes = [1, 10000], strides = [1, 1]} : vector<2x10000xf32> to vector<1x10000xf32>
    %reshape3A_15 = vector.shape_cast %slice3A_14 : vector<1x10000xf32> to vector<10000xf32>
    %add3A_16 = vector.broadcast %mul3A_10 : f32 to vector<10000xf32>
    %add3A_17 = arith.addf %reshape3A_15, %add3A_16 : vector<10000xf32>
    %swap3A_18 = arith.constant 0 : index
    %swap3A_19 = vector.load %arg4[%swap3A_18] : memref<10000xf32, #tpu.memory_space<vmem>>, vector<10000xf32>
    tpu.vector_store %arg4[%swap3A_18], %add3A_17 {strides = array<i32>} : memref<10000xf32, #tpu.memory_space<vmem>>, vector<10000xf32>,
    return
  }
}

</mosaic_0001>

<sc_bundles>
// kernel: kernel.4.cloned.1.call-start
scs
__scs_entry_jumppad:
0x0: {  	(pc) =	sbr.rel $0x88, $3  }
0x1: {  	(tag) =	ssettag $0x0;
	lr =	simm.s32 $0x1  }
0x2: {  	[smem:$0x3F9D] =	sst lr;
	_ =	strace $0xD0000000  }
0x3: {  	_ = 	snop  }
0x4: {  	_ = 	snop  }
0x5: {  	_ = 	snop  }
0x6: {  	_ = 	snop  }
0x7: {  	_ = 	snop  }
__scs_overlays_trampoline_lowered:
0x8: {  	[smem:$0x3FAC] =	sst s0  }
0x9: {  	[smem:$0x3FAD] =	sst s1  }
0xa: {  	[smem:$0x3FAE] =	sst s2  }
0xb: {  	[smem:$0x3FAF] =	sst s3  }
0xc: {  	[smem:$0x3FB0] =	sst s4  }
0xd: {  	[smem:$0x3FB1] =	sst s5  }
0xe: {  	[smem:$0x3FB2] =	sst s6  }
0xf: {  	[smem:$0x3FB3] =	sst s7  }
0x10: {  	[smem:$0x3FB4] =	sst s8  }
0x11: {  	[smem:$0x3FB5] =	sst s9;
	s0 =	simm.s32 @!p0 $0x0  }
0x12: {  	s1 =	sld [smem:$0x3F9B];
	s0 =	simm.s32 @p0 $0x1  }
0x13: {  	[smem:$0x3FB6] =	sst s0;
	s0 =	simm.s32 @!p1 $0x0  }
0x14: {  	s2 =	sld [smem:$0x3F9A];
	s0 =	simm.s32 @p1 $0x1  }
0x15: {  	[smem:$0x3FB7] =	sst s0;
	s0 =	simm.s32 @!p2 $0x0  }
0x16: {  	s3 =	sld [smem:$0x3FDB];
	s0 =	simm.s32 @p2 $0x1  }
0x17: {  	s4 =	simm.s32 $0x1BF5;
	[smem:$0x3FB9] =	sst s0  }
0x18: {  	s0 =	sld [smem:$0x3F9C];
	_ =	swait.ge [sflag:s4], $0x0  }
0x19: {  	s7 =	sld [smem:$0x3F9D]  }
0x1a: {  	s8 =	sadd.s32 $0xFFFFE003, lr  }
0x1b: {  	s9 =	sadd.s32 $0xFFFFFEF7, lr;
	s5 =	simm.s32 $0xFFFFFFFF;
	p2 =	slt.u32 s8, $0xFFFFF086  }
0x1c: {  	p1 =	slt.u32 s9, $0xF7A;
	s5 =	simm.s32 @!p2 $0x0  }
0x1d: {  	s5 =	simm.s32 @p1 $0x1;
	p0 =	seq.s32 s7, s2  }
0x1e: {  	s7 =	smul.u32 @!p0 $0xF7A, s2;
	p2 =	seq.s32 @!p0 s5, $0x0  }
0x1f: {  	s9 =	smul.u32 $0xF7A, s1;
	s8 =	simm.s32 @!p0 $0x1BF5;
	p2 =	por !p2, p0  }
0x20: {  	[sflag:s8] =	ssyncset.s32 @!p0 $0xFFFFF086;
	s6 =	sadd.s32 @!p0 s3, s7;
	s7 =	simm.s32 @!p0 $0x108  }
0x21: {  	s3 =	sadd.s32 s3, s9;
	s6 =	sadd.s32 @!p0 $0x88, s6;
	s7 =	simm.s32 @p2 $0x1082  }
0x22: {  	[simem:s7], [sflag:s8] =	dma.local @!p0 [hbm:s6], $0xF7A  }
0x23: {  	s9 =	sor.u32 $0xD0000000, s2;
	s6 =	simm.s32 $0x108;
	_ =	swait.ge @!p0 [sflag:s8], $0x0  }
0x24: {  	s3 =	sadd.s32 $0x88, s3;
	s6 =	simm.s32 @!p1 $0x1082;
	[sflag:s4] =	ssyncset.s32 $0xFFFFF086  }
0x25: {  	[simem:s6], [sflag:s4] =	dma.local [hbm:s3], $0xF7A  }
0x26: {  	[smem:$0x3F9D] =	sst s1;
	(tag) =	ssettag s2;
	_ =	strace s9  }
0x27: {  	s1 =	sld [smem:$0x3FAD]  }
0x28: {  	s2 =	sld [smem:$0x3FAE]  }
0x29: {  	s4 =	sld [smem:$0x3FB0]  }
0x2a: {  	p0 =	seq.s32 s5, $0x0;
	s5 =	sld [smem:$0x3FB1]  }
0x2b: {  	s6 =	sld [smem:$0x3FB2]  }
0x2c: {  	s7 =	sld [smem:$0x3FB3]  }
0x2d: {  	s3 =	simm.s32 $0x108;
	s8 =	sld [smem:$0x3FB4]  }
0x2e: {  	s3 =	simm.s32 @!p0 $0x1082;
	s9 =	sld [smem:$0x3FB5]  }
0x2f: {  	lr =	sadd.s32 s0, s3;
	s0 =	sld [smem:$0x3FAC]  }
0x30: {  	s3 =	sld [smem:$0x3FAF]  }
0x31: {  	[smem:$0x3FB8] =	sst s10  }
0x32: {  	s10 =	sld [smem:$0x3FB6];
	_ =	sdelay $0x3  }
0x33: {  	p0 =	seq.s32 s10, $0x1;
	s10 =	sld [smem:$0x3FB8];
	_ =	sdelay $0x3  }
0x34: {  	[smem:$0x3FB8] =	sst s10  }
0x35: {  	s10 =	sld [smem:$0x3FB7];
	_ =	sdelay $0x3  }
0x36: {  	p1 =	seq.s32 s10, $0x1;
	s10 =	sld [smem:$0x3FB8];
	_ =	sdelay $0x3  }
0x37: {  	[smem:$0x3FB8] =	sst s10  }
0x38: {  	s10 =	sld [smem:$0x3FB9]  }
0x39: {  	_ = 	snop;
	(pc) =	sbr.ind lr, $3  }
0x3a: {  	_ = 	snop  }
0x3b: {  	_ = 	snop  }
0x3c: {  	p2 =	seq.s32 s10, $0x1;
	s10 =	sld [smem:$0x3FB8]  }
0x3d: {  	_ =	shalt  }
0x3e: {  	_ =	shalt  }
0x3f: {  	_ =	shalt  }
0x40: {  	_ =	shalt  }
0x41: {  	_ =	shalt  }
0x42: {  	_ =	shalt  }
0x43: {  	_ =	shalt  }
0x44: {  	_ =	shalt  }
0x45: {  	_ =	shalt  }
0x46: {  	_ =	shalt  }
0x47: {  	_ =	shalt  }
0x48: {  	_ =	shalt  }
0x49: {  	_ =	shalt  }
0x4a: {  	_ =	shalt  }
0x4b: {  	_ =	shalt  }
0x4c: {  	_ =	shalt  }
0x4d: {  	_ =	shalt  }
0x4e: {  	_ =	shalt  }
0x4f: {  	_ =	shalt  }
0x50: {  	_ =	shalt  }
0x51: {  	_ =	shalt  }
0x52: {  	_ =	shalt  }
0x53: {  	_ =	shalt  }
0x54: {  	_ =	shalt  }
0x55: {  	_ =	shalt  }
0x56: {  	_ =	shalt  }
0x57: {  	_ =	shalt  }
0x58: {  	_ =	shalt  }
0x59: {  	_ =	shalt  }
0x5a: {  	_ =	shalt  }
0x5b: {  	_ =	shalt  }
0x5c: {  	_ =	shalt  }
0x5d: {  	_ =	shalt  }
0x5e: {  	_ =	shalt  }
0x5f: {  	_ =	shalt  }
0x60: {  	_ =	shalt  }
0x61: {  	_ =	shalt  }
0x62: {  	_ =	shalt  }
0x63: {  	_ =	shalt  }
0x64: {  	_ =	shalt  }
0x65: {  	_ =	shalt  }
0x66: {  	_ =	shalt  }
0x67: {  	_ =	shalt  }
0x68: {  	_ =	shalt  }
0x69: {  	_ =	shalt  }
0x6a: {  	_ =	shalt  }
0x6b: {  	_ =	shalt  }
0x6c: {  	_ =	shalt  }
0x6d: {  	_ =	shalt  }
0x6e: {  	_ =	shalt  }
0x6f: {  	_ =	shalt  }
0x70: {  	_ =	shalt  }
0x71: {  	_ =	shalt  }
0x72: {  	_ =	shalt  }
0x73: {  	_ =	shalt  }
0x74: {  	_ =	shalt  }
0x75: {  	_ =	shalt  }
0x76: {  	_ =	shalt  }
0x77: {  	_ =	shalt  }
0x78: {  	_ =	shalt  }
0x79: {  	_ =	shalt  }
0x7a: {  	_ =	shalt  }
0x7b: {  	_ =	shalt  }
0x7c: {  	_ =	shalt  }
0x7d: {  	_ =	shalt  }
0x7e: {  	_ =	shalt  }
0x7f: {  	_ =	shalt  }
0x80: {  	_ =	shalt  }
0x81: {  	_ =	shalt  }
0x82: {  	_ =	shalt  }
0x83: {  	_ =	shalt  }
0x84: {  	_ =	shalt  }
0x85: {  	_ =	shalt  }
0x86: {  	_ =	shalt  }
0x87: {  	_ =	shalt  }
.Lfunc_end0:
.L_simem_size_0:
called_computation_lowered:
.L_overlay_start_0:
0x88: {  	s2 =	sld [smem:$0x3FD9]  }
0x89: {  	s3 =	sld [smem:$0x3FFE];
	_ =	sdelay $0x1  }
0x8a: {  	s1 =	srdreg.scid  }
0x8b: {  	s0 =	sand.u32 $0x1, s1  }
0x8c: {  	s17 =	sshll.u32 s0, $0xA;
	s2 =	sadd.s32 s3, s2  }
0x8d: {  	s2 =	sadd.s32 s2, s17  }
0x8e: {  	[smem:$0x3FC4] =	sst s2  }
0x8f: {  	_ = 	snop  }
0x90: {  	s2 =	sld [smem:$0x3FC8]  }
0x91: {  	s18 =	sld [smem:$0x3FD0];
	(tm) =	ssettm $0x1  }
0x92: {  	s4 =	sld [smem:$0x3FFB];
	_ =	sdelay $0x3  }
0x93: {  	_ =	strace s4  }
0x94: {  	s4 =	sld [smem:$0x3FFC];
	_ =	sdelay $0x3  }
0x95: {  	_ =	strace s4  }
0x96: {  	s4 =	sld [smem:$0x3FFD];
	_ =	sdelay $0x3  }
0x97: {  	_ =	strace s4  }
0x98: {  	_ =	strace $0x8FFFFFFF  }
0x99: {  	s19 =	sld [smem:$0x3FDB];
	_ =	sdelay $0x1  }
0x9a: {  	s5 =	simm.s32 $_scs_section_size  }
0x9b: {  	s6 =	simm.s32 $_size__tile_overlayer_lowered;
	s7 =	simm.s32 $_tile_overlayer_lowered  }
0x9c: {  	s22 =	simm.s32 $0x1BFF;
	s21 =	sshll.u32 s7, $0x1;
	s4 =	sadd.s32 s5, s19  }
0x9d: {  	s8 =	simm.s32 $0x0;
	s20 =	sshll.u32 s6, $0x1;
	s6 =	sadd.s32 s21, s4  }
0x9e: {  	[timem:s8], [sflag:s22] =	dma.local [hbm:s6], s20  }
0x9f: {  	_ =	swait.ge [sflag:s22], s20  }
0xa0: {  	s5 =	ssub.s32 $0x0, s20;
	[sflag:s22] =	ssyncset.done $0x0  }
0xa1: {  	[sflag:s22] =	ssyncadd.s32 s5;
	_ =	sdelay $0x1  }
0xa2: {  	s23 =	simm.s32 $0x1B8B  }
0xa3: {  	_ =	swait.ge [sflag:s23], $0x1  }
0xa4: {  	[sflag:s23] =	ssyncset.done $0x0  }
0xa5: {  	s25 =	simm.s32 $0x1B8E;
	s24 =	sld [smem:$0x3FFE];
	[sflag:s23] =	ssyncadd.s32 $0xFFFFFFFF  }
0xa6: {  	s26 =	simm.s32 $execute0_lowered;
	[smem:$0x3FD2] =	sst s25  }
0xa7: {  	s6 =	sshll.u32 s26, $0x1;
	_ =	strace $0x80000046;
	[dreg:$0x1] =	wrdreg $0xFFFFFFFF  }
0xa8: {  	s28 =	simm.s32 $_size_execute0_lowered;
	s4 =	sadd.s32 s4, s6;
	[dreg:$0x0] =	wrdreg $0x0  }
0xa9: {  	s6 =	sshll.u32 s28, $0x1;
	[dreg:$0x2] =	wrdreg s4  }
0xaa: {  	[dreg:$0x3] =	wrdreg s6  }
0xab: {  	[dreg:$0x4] =	wrdreg $0xC0  }
0xac: {  	_ =	task [dreg:s8], $0x5FFFF  }
0xad: {  	[dreg:$0x1] =	wrdreg $0xFFFFFFFF  }
0xae: {  	[dreg:$0x0] =	wrdreg $0x60  }
0xaf: {  	[dreg:$0x2] =	wrdreg s24  }
0xb0: {  	[dreg:$0x3] =	wrdreg s2  }
0xb1: {  	[dreg:$0x4] =	wrdreg s18  }
0xb2: {  	[dreg:$0x5] =	wrdreg $0x9  }
0xb3: {  	_ =	task.clear_ibuf [dreg:s8], $0x6FFFF;
	_ =	strace $0x90000046  }
0xb4: {  	s29 =	simm.s32 $0x9;
	_ =	strace $0x80000048  }
0xb5: {  	_ =	swait.ge [sflag:s29], $0x1  }
0xb6: {  	[sflag:s29] =	ssyncadd.s32 $0xFFFFFFFF  }
0xb7: {  	_ =	strace $0x90000048  }
0xb8: {  	_ =	sfence  }
0xb9: {  	s30 =	sld [smem:$0x0];
	_ =	sdelay $0x2  }
0xba: {  	s31 =	sshll.u32 s1, $0xD;
	s1 =	sshrl.u32 s1, $0x2  }
0xbb: {  	s3 =	sand.u32 $0x4000, s31;
	s1 =	sadd.s32 s1, s30  }
0xbc: {  	s0 =	sor.u32 s3, s0;
	s1 =	sshll.u32 s1, $0x11  }
0xbd: {  	s0 =	sor.u32 s1, s0  }
0xbe: {  	s0 =	sadd.s32 $0x8F2B, s0  }
0xbf: {  	[sflag:s0] =	ssyncadd.remote.s32 $0x1  }
0xc0: {  	_ =	sfence.sel $0xFFFF  }
0xc1: {  	[dreg:$0x0] =	wrdreg $0xFFFFFFFF;
	(pc) =	sbr.abs _section_cstart, $3  }
0xc2: {  	[dreg:$0x1] =	wrdreg $0xFFFFFFFF  }
0xc3: {  	_ =	task.clear_ibuf [dreg:s8], $0x2FFFF;
	_ =	strace $0x9FFFFFFF  }
0xc4: {  	(tm) =	ssettm $0x7FFFFFFF  }
0xc5: {  	_ =	shalt  }
tec
execute0_lowered:
.L_overlay_start_1:
0x0: {  	(tag) =	ssettag $0x1  }
0x1: {  	s3 =	rddreg [dreg:$0x0]  }
0x2: {  	s5 =	rddreg [dreg:$0x1]  }
0x3: {  	s6 =	rddreg [dreg:$0x2]  }
0x4: {  	s0 =	rddreg [dreg:$0x3]  }
0x5: {  	s1 =	simm.s32 $0x0;
	s2 =	srdreg.scid;
	s9 =	stileid.u32  }
0x6: {  	s13 =	simm.s32 $0x2;
	s14 =	simm.s32 $0x8A80;
	s15 =	simm.s32 $0x0  }
0x7: {  	[smem:$0x7FF] =	sst s1;
	s4 =	sand.u32 $0x1, s2;
	s8 =	sshll.u32 s9, $0x1  }
0x8: {  	s2 =	sadd.s32 $0xE00, s3;
	s3 =	sadd.s32 $0x1400, s3;
	p0 =	sne.s32 s9, $0x0  }
0x9: {  	s9 =	simm.s32 $0x2780;
	_ =	strace $0x80000047;
	s8 =	sor.u32 s4, s8  }
0xa: {  	s7 =	ssub.s32 $0x2, s4;
	s11 =	sshll.u32 s4, $0x5;
	s30 =	smul.u32 $0x4E0, s8  }
.Ltmp0:
0xb: {  	s12 =	sshll.u32 s4, $0x4;
	s10 =	sshrl.u32 s7, $0x1;
	(pc) =	sbr.rel .LBB2_1-.Ltmp0, $4  }
0xc: {  	s8 =	smul.u32 $0x270, s8;
	s31 =	sadd.s32 s12, s6;
	s12 =	simm.s32 $0x7700  }
0xd: {  	s10 =	ssub.s32 s7, s10;
	s7 =	sadd.s32 $0x4E00, s31;
	s4 =	sadd.s32 s5, s30  }
0xe: {  	s5 =	sadd.s32 s11, s5;
	s6 =	sadd.s32 s6, s8;
	s8 =	smax.u32 s10, $0x1  }
0xf: {  	s10 =	simm.s32 $0x4F00;
	s11 =	simm.s32 $0x1;
	s5 =	sadd.s32 $0x9C00, s5  }
.LBB2_5:
0x10: {  	[hbm4b:s6+s1] =	stream.linear.scatter [tilespmem:s12], [sflag:$0x2], $0x1380, $0x38;
	[tilespmem:$0x8B00] =	vst v63  }
0x11: {  	_ =	swait.ge [sflag:s13], $0x1380  }
0x12: {  	[sflag:s13] =	ssyncset.done $0x0  }
0x13: {  	[sflag:s13] =	ssyncadd.s32 $0xFFFFEC80  }
.LBB2_6:
0x14: {  	s15 =	sadd.s32 $0x1, s15  }
0x15: {  	p1 =	sne.s32 s15, s8  }
.Ltmp1:
0x16: {  	_ = 	snop;
	(pc) =	sbr.rel @!p1 .LBB2_7-.Ltmp1, $1  }
0x17: {  	_ =	sdelay $0x3  }
.LBB2_1:
0x18: {  	[tilespmem:s1], [sflag:$0x1] =	stream.linear.gather [hbm4b:s2+s1], $0x2780, $0x38;
	[tilespmem:$0x8B00] =	vst v63  }
0x19: {  	_ = 	snop  }
0x1a: {  	[tilespmem:s9], [sflag:$0x1] =	stream.linear.gather [hbm4b:s3+s1], $0x2780, $0x38;
	[tilespmem:$0x8B00] =	vst v63  }
0x1b: {  	_ = 	snop  }
0x1c: {  	[tilespmem:s10], [sflag:$0x1] =	stream.linear.gather [hbm4b:s4+s1], $0x2700, $0x38;
	[tilespmem:$0x8B00] =	vst v63  }
0x1d: {  	s16 =	simm.s32 @!p0 $0x0;
	s17 =	simm.s32 @!p0 $0x7600  }
0x1e: {  	[tilespmem:s17], [sflag:$0x1] =	stream.linear.gather @!p0 [hbm4b:s5+s16], $0x100, $0x38;
	[tilespmem:$0x8B00] =	vst v63  }
0x1f: {  	s16 =	simm.s32 @!p0 $0x1  }
0x20: {  	_ =	swait.ge @!p0 [sflag:s16], $0x100  }
0x21: {  	[sflag:s16] =	ssyncset.done @!p0 $0x0  }
0x22: {  	[sflag:s16] =	ssyncadd.s32 @!p0 $0xFFFFFF00  }
0x23: {  	_ =	swait.ge [sflag:s11], $0x2780  }
0x24: {  	[sflag:s11] =	ssyncset.done $0x0  }
0x25: {  	[sflag:s11] =	ssyncadd.s32 $0xFFFFD880  }
0x26: {  	_ =	swait.ge [sflag:s11], $0x2780  }
0x27: {  	[sflag:s11] =	ssyncset.done $0x0  }
0x28: {  	[sflag:s11] =	ssyncadd.s32 $0xFFFFD880  }
0x29: {  	_ =	swait.ge [sflag:s11], $0x2700  }
0x2a: {  	[sflag:s11] =	ssyncset.done $0x0  }
0x2b: {  	s30 =	simm.s32 $0x4F80;
	[sflag:s11] =	ssyncadd.s32 $0xFFFFD900  }
0x2c: {  	v0 =	vld [tilespmem:s30+$0xFFFFFFF0]  }
0x2d: {  	v1 =	vld [tilespmem:s30+$0x70]  }
0x2e: {  	v2 =	vld [tilespmem:s30+$0x0]  }
0x2f: {  	v3 =	vld [tilespmem:s30+$0xFFFFFF90]  }
0x30: {  	v4 =	vld [tilespmem:s30+$0x10]  }
0x31: {  	v5 =	vld [tilespmem:s30+$0xFFFFFFA0]  }
0x32: {  	v6 =	vld [tilespmem:s30+$0x20]  }
0x33: {  	v7 =	vld [tilespmem:s30+$0xFFFFFFB0]  }
0x34: {  	v8 =	vld [tilespmem:s30+$0x30]  }
0x35: {  	v0 =	vld.idx.msk [tilespmem:v0+s1+$0x0], $0xffff  }
0x36: {  	v1 =	vld.idx.msk [tilespmem:v1+s9+$0x0], $0xffff  }
0x37: {  	v9 =	vld [tilespmem:s30+$0xFFFFFFC0]  }
0x38: {  	v10 =	vld [tilespmem:s30+$0x40]  }
0x39: {  	v11 =	vld [tilespmem:s30+$0xFFFFFFD0]  }
0x3a: {  	v12 =	vld [tilespmem:s30+$0x50]  }
0x3b: {  	v13 =	vld [tilespmem:s30+$0xFFFFFFE0];
	v0 =	vadd.f32 v1, v0  }
0x3c: {  	v14 =	vld [tilespmem:s30+$0x60]  }
0x3d: {  	v1 =	vld [tilespmem:s30+$0xFFFFFF80];
	v0 =	vsub.f32 $0.0e+00, v0  }
0x3e: {  	v2 =	vld.idx.msk [tilespmem:v2+s9+$0x0], $0xffff  }
0x3f: {  	v3 =	vld.idx.msk [tilespmem:v3+s1+$0x0], $0xffff;
	v0 =	vmul.f32 $1.442695020e+00, v0  }
0x40: {  	v4 =	vld.idx.msk [tilespmem:v4+s9+$0x0], $0xffff  }
0x41: {  	v5 =	vld.idx.msk [tilespmem:v5+s1+$0x0], $0xffff;
	(erf) = vpow2.f32 v0  }
0x42: {  	v6 =	vld.idx.msk [tilespmem:v6+s9+$0x0], $0xffff  }
0x43: {  	v0 =	vld.idx.msk [tilespmem:v7+s1+$0x0], $0xffff  }
0x44: {  	v7 =	vld.idx.msk [tilespmem:v8+s9+$0x0], $0xffff  }
0x45: {  	s31 =	simm.s32 $0x5080;
	v3 =	vadd.f32 v4, v3;
	v1 =	vld.idx.msk [tilespmem:v1+s1+$0x0], $0xffff  }
0x46: {  	v54 =	vld [tilespmem:s31+$0xFFFFFFF0]  }
0x47: {  	v3 =	vsub.f32 $0.0e+00, v3;
	v8 =	vld.idx.msk [tilespmem:v9+s1+$0x0], $0xffff  }
0x48: {  	v5 =	vadd.f32 v6, v5;
	v9 =	vld.idx.msk [tilespmem:v10+s9+$0x0], $0xffff  }
0x49: {  	v4 =	vld.idx.msk [tilespmem:v11+s1+$0x0], $0xffff;
	v3 =	vmul.f32 $1.442695020e+00, v3;
	v0 =	vadd.f32 v7, v0  }
0x4a: {  	v5 =	vsub.f32 $0.0e+00, v5;
	v10 =	vld.idx.msk [tilespmem:v12+s9+$0x0], $0xffff;
	v1 =	vadd.f32 v2, v1;
	v7 =	vpop (erf)  }
0x4b: {  	v6 =	vld.idx.msk [tilespmem:v13+s1+$0x0], $0xffff;
	(erf) = vpow2.f32 v3;
	v0 =	vsub.f32 $0.0e+00, v0;
	v2 =	vadd.f32 $1.000000000e+00, v7  }
0x4c: {  	v11 =	vld.idx.msk [tilespmem:v14+s9+$0x0], $0xffff;
	v5 =	vmul.f32 $1.442695020e+00, v5;
	v1 =	vsub.f32 $0.0e+00, v1  }
0x4d: {  	v3 =	vadd.f32 v9, v8;
	v0 =	vmul.f32 $1.442695020e+00, v0;
	v7 =	vld [tilespmem:s31+$0x70];
	(erf) = vrcp.f32 v2  }
0x4e: {  	v1 =	vmul.f32 $1.442695020e+00, v1;
	(erf) = vpow2.f32 v5  }
0x4f: {  	v55 =	vld [tilespmem:s31+$0x40];
	v4 =	vadd.f32 v10, v4;
	v3 =	vsub.f32 $0.0e+00, v3;
	(erf) = vpow2.f32 v0  }
0x50: {  	v57 =	vld [tilespmem:s31+$0xFFFFFFD0];
	(erf) = vpow2.f32 v1  }
0x51: {  	v16 =	vld [tilespmem:s31+$0x50];
	v0 =	vmul.f32 $1.442695020e+00, v3;
	v3 =	vsub.f32 $0.0e+00, v4  }
0x52: {  	v17 =	vld [tilespmem:s31+$0xFFFFFFE0];
	v6 =	vadd.f32 v11, v6  }
0x53: {  	v18 =	vld [tilespmem:s31+$0xFFFFFF80];
	v3 =	vmul.f32 $1.442695020e+00, v3;
	(erf) = vpow2.f32 v0  }
0x54: {  	v6 =	vsub.f32 $0.0e+00, v6;
	v11 =	vpop (erf);
	v0 =	vld.idx.msk [tilespmem:v54+s1+$0x0], $0xffff  }
0x55: {  	v11 =	vadd.f32 $1.000000000e+00, v11;
	v7 =	vld.idx.msk [tilespmem:v7+s9+$0x0], $0xffff;
	(erf) = vpow2.f32 v3  }
0x56: {  	v6 =	vmul.f32 $1.442695020e+00, v6;
	v2 =	vld [tilespmem:s31+$0xFFFFFF90];
	v56 =	vpop (erf)  }
0x57: {  	v5 =	vld [tilespmem:s31+$0xFFFFFFA0];
	v15 =	vpop (erf)  }
0x58: {  	v9 =	vld [tilespmem:s31+$0x10];
	(erf) = vpow2.f32 v6;
	v6 =	vadd.f32 $1.000000000e+00, v15;
	v58 =	vpop (erf)  }
0x59: {  	v1 =	vld [tilespmem:s31+$0xFFFFFFB0];
	(erf) = vrcp.f32 v11;
	v11 =	vpop (erf)  }
0x5a: {  	v10 =	vld [tilespmem:s31+$0xFFFFFFC0];
	v0 =	vadd.f32 v7, v0;
	(erf) = vrcp.f32 v6;
	v6 =	vadd.f32 $1.000000000e+00, v11  }
0x5b: {  	v4 =	vld [tilespmem:s31+$0x20];
	v7 =	vadd.f32 $1.000000000e+00, v58  }
0x5c: {  	v8 =	vld [tilespmem:s31+$0x0];
	v11 =	vpop (erf);
	v0 =	vsub.f32 $0.0e+00, v0  }
0x5d: {  	v3 =	vld [tilespmem:s31+$0x30];
	(erf) = vrcp.f32 v7;
	v7 =	vadd.f32 $1.000000000e+00, v11  }
0x5e: {  	v2 =	vld.idx.msk [tilespmem:v2+s1+$0x0], $0xffff;
	(erf) = vrcp.f32 v6;
	v0 =	vmul.f32 $1.442695020e+00, v0;
	v6 =	vpop (erf)  }
0x5f: {  	v5 =	vld.idx.msk [tilespmem:v5+s1+$0x0], $0xffff;
	(erf) = vrcp.f32 v7;
	v6 =	vadd.f32 $1.000000000e+00, v6  }
0x60: {  	v7 =	vld.idx.msk [tilespmem:v9+s9+$0x0], $0xffff;
	(erf) = vpow2.f32 v0  }
0x61: {  	(erf) = vrcp.f32 v6;
	v6 =	vld.idx.msk [tilespmem:v1+s1+$0x0], $0xffff;
	v1 =	vpop (erf)  }
0x62: {  	v0 =	vld.idx.msk [tilespmem:v10+s1+$0x0], $0xffff;
	v10 =	vadd.f32 $1.000000000e+00, v1  }
0x63: {  	v4 =	vld.idx.msk [tilespmem:v4+s9+$0x0], $0xffff  }
0x64: {  	v59 =	vld [tilespmem:s31+$0x60];
	(erf) = vrcp.f32 v10  }
0x65: {  	v11 =	vld.idx.msk [tilespmem:v8+s9+$0x0], $0xffff  }
0x66: {  	s16 =	simm.s32 $0x7740;
	v8 =	vld.idx.msk [tilespmem:v3+s9+$0x0], $0xffff;
	v3 =	vpop (erf);
	v7 =	vadd.f32 v7, v2  }
0x67: {  	[tilespmem:s16+$0x30] =	vst v56;
	v9 =	vld.idx.msk [tilespmem:v18+s1+$0x0], $0xffff;
	v60 =	vpop (erf)  }
0x68: {  	v4 =	vadd.f32 v4, v5;
	v2 =	vld.idx.msk [tilespmem:v55+s9+$0x0], $0xffff;
	[tilespmem:s16+$0xFFFFFFD0] =	vst v3;
	v3 =	vpop (erf);
	v5 =	vsub.f32 $0.0e+00, v7  }
0x69: {  	v1 =	vld.idx.msk [tilespmem:v57+s1+$0x0], $0xffff;
	[tilespmem:s16+$0xFFFFFFE0] =	vst v60;
	v61 =	vpop (erf)  }
0x6a: {  	v7 =	vsub.f32 $0.0e+00, v4;
	v4 =	vld.idx.msk [tilespmem:v17+s1+$0x0], $0xffff;
	[tilespmem:s16+$0xFFFFFFF0] =	vst v3;
	v62 =	vpop (erf)  }
0x6b: {  	v3 =	vld.idx.msk [tilespmem:v16+s9+$0x0], $0xffff;
	[tilespmem:s16+$0xFFFFFFC0] =	vst v61;
	v8 =	vadd.f32 v8, v6;
	v10 =	vmul.f32 $1.442695020e+00, v5;
	v63 =	vpop (erf)  }
0x6c: {  	s18 =	simm.s32 $0x5180;
	s17 =	simm.s32 $0x8;
	v9 =	vadd.f32 v11, v9;
	v6 =	vld.idx.msk [tilespmem:v59+s9+$0x0], $0xffff;
	[tilespmem:s16+$0x0] =	vst v62;
	v11 =	vadd.f32 $1.000000000e+00, v63;
	v5 =	vpop (erf)  }
.LBB2_2:
0x6d: {  	v12 =	vld [tilespmem:s18+$0xFFFFFFF0];
	v7 =	vmul.f32 $1.442695020e+00, v7;
	v8 =	vsub.f32 $0.0e+00, v8;
	(erf) = vpow2.f32 v10;
	[tilespmem:s16+$0x10] =	vst v5;
	v5 =	vpop (erf)  }
0x6e: {  	s17 =	sadd.s32 $0x8, s17;
	v0 =	vadd.f32 v2, v0;
	v10 =	vld [tilespmem:s18+$0x70];
	v9 =	vsub.f32 $0.0e+00, v9;
	(erf) = vrcp.f32 v11;
	[tilespmem:s16+$0x20] =	vst v5  }
0x6f: {  	p1 =	slt.u32 s17, $0x130;
	v2 =	vld [tilespmem:s18+$0x0];
	v5 =	vmul.f32 $1.442695020e+00, v8;
	(erf) = vpow2.f32 v7  }
0x70: {  	v0 =	vsub.f32 $0.0e+00, v0;
	v1 =	vadd.f32 v3, v1;
	v7 =	vld [tilespmem:s18+$0xFFFFFF90];
	v8 =	vmul.f32 $1.442695020e+00, v9  }
0x71: {  	v3 =	vld [tilespmem:s18+$0x10];
	(erf) = vpow2.f32 v5  }
0x72: {  	v0 =	vmul.f32 $1.442695020e+00, v0;
	v1 =	vsub.f32 $0.0e+00, v1;
	v4 =	vadd.f32 v6, v4;
	v5 =	vld [tilespmem:s18+$0xFFFFFFA0]  }
0x73: {  	v6 =	vld [tilespmem:s18+$0x20];
	(erf) = vpow2.f32 v8  }
0x74: {  	v1 =	vmul.f32 $1.442695020e+00, v1;
	v4 =	vsub.f32 $0.0e+00, v4;
	v8 =	vld [tilespmem:s18+$0xFFFFFFB0];
	(erf) = vpow2.f32 v0  }
0x75: {  	v0 =	vld.idx.msk [tilespmem:v12+s1+$0x0], $0xffff  }
0x76: {  	v4 =	vmul.f32 $1.442695020e+00, v4;
	v9 =	vld.idx.msk [tilespmem:v10+s9+$0x0], $0xffff;
	v10 =	vpop (erf);
	(erf) = vpow2.f32 v1  }
0x77: {  	s16 =	sadd.s32 $0x80, s16;
	v1 =	vld [tilespmem:s18+$0x30];
	v10 =	vadd.f32 $1.000000000e+00, v10;
	v11 =	vpop (erf)  }
0x78: {  	v12 =	vld [tilespmem:s18+$0xFFFFFFC0];
	[tilespmem:s16+$0x30] =	vst v11;
	v11 =	vpop (erf);
	(erf) = vpow2.f32 v4  }
0x79: {  	v4 =	vld [tilespmem:s18+$0x40];
	v11 =	vadd.f32 $1.000000000e+00, v11;
	(erf) = vrcp.f32 v10  }
0x7a: {  	v10 =	vld [tilespmem:s18+$0xFFFFFFD0];
	v13 =	vpop (erf)  }
0x7b: {  	v14 =	vld [tilespmem:s18+$0x50];
	v16 =	vadd.f32 $1.000000000e+00, v13;
	(erf) = vrcp.f32 v11  }
0x7c: {  	v0 =	vadd.f32 v9, v0;
	v11 =	vld [tilespmem:s18+$0xFFFFFFE0];
	v9 =	vpop (erf)  }
0x7d: {  	v15 =	vld [tilespmem:s18+$0x60];
	v9 =	vadd.f32 $1.000000000e+00, v9;
	(erf) = vrcp.f32 v16;
	v13 =	vpop (erf)  }
0x7e: {  	v0 =	vsub.f32 $0.0e+00, v0;
	v16 =	vld [tilespmem:s18+$0xFFFFFF80];
	v13 =	vadd.f32 $1.000000000e+00, v13  }
0x7f: {  	v17 =	vld.idx.msk [tilespmem:v2+s9+$0x0], $0xffff;
	(erf) = vrcp.f32 v9;
	v2 =	vpop (erf)  }
0x80: {  	v0 =	vmul.f32 $1.442695020e+00, v0;
	v7 =	vld.idx.msk [tilespmem:v7+s1+$0x0], $0xffff;
	v2 =	vadd.f32 $1.000000000e+00, v2;
	(erf) = vrcp.f32 v13  }
0x81: {  	v3 =	vld.idx.msk [tilespmem:v3+s9+$0x0], $0xffff;
	v9 =	vpop (erf)  }
0x82: {  	v5 =	vld.idx.msk [tilespmem:v5+s1+$0x0], $0xffff;
	(erf) = vpow2.f32 v0;
	v0 =	vadd.f32 $1.000000000e+00, v9;
	v9 =	vpop (erf)  }
0x83: {  	v6 =	vld.idx.msk [tilespmem:v6+s9+$0x0], $0xffff;
	[tilespmem:s16+$0xFFFFFFD0] =	vst v9;
	(erf) = vrcp.f32 v2  }
0x84: {  	v8 =	vld.idx.msk [tilespmem:v8+s1+$0x0], $0xffff;
	v2 =	vpop (erf);
	(erf) = vrcp.f32 v0  }
0x85: {  	v9 =	vld.idx.msk [tilespmem:v1+s9+$0x0], $0xffff;
	[tilespmem:s16+$0xFFFFFFE0] =	vst v2  }
0x86: {  	v13 =	vld.idx.msk [tilespmem:v16+s1+$0x0], $0xffff;
	v1 =	vpop (erf)  }
0x87: {  	v3 =	vadd.f32 v3, v7;
	v0 =	vld.idx.msk [tilespmem:v12+s1+$0x0], $0xffff;
	[tilespmem:s16+$0xFFFFFFF0] =	vst v1  }
.Ltmp2:
0x88: {  	v2 =	vld.idx.msk [tilespmem:v4+s9+$0x0], $0xffff;
	v4 =	vpop (erf);
	(pc) =	sbr.rel @p1 .LBB2_2-.Ltmp2, $4  }
0x89: {  	v7 =	vsub.f32 $0.0e+00, v3;
	v6 =	vadd.f32 v6, v5;
	v1 =	vld.idx.msk [tilespmem:v10+s1+$0x0], $0xffff;
	[tilespmem:s16+$0xFFFFFFC0] =	vst v4;
	v4 =	vpop (erf)  }
0x8a: {  	v3 =	vld.idx.msk [tilespmem:v14+s9+$0x0], $0xffff;
	[tilespmem:s16+$0x0] =	vst v4  }
0x8b: {  	v10 =	vmul.f32 $1.442695020e+00, v7;
	v7 =	vsub.f32 $0.0e+00, v6;
	v8 =	vadd.f32 v9, v8;
	v4 =	vld.idx.msk [tilespmem:v11+s1+$0x0], $0xffff;
	v5 =	vpop (erf)  }
0x8c: {  	s18 =	sadd.s32 $0x100, s18;
	v9 =	vadd.f32 v17, v13;
	v6 =	vld.idx.msk [tilespmem:v15+s9+$0x0], $0xffff;
	v11 =	vadd.f32 $1.000000000e+00, v5;
	v5 =	vpop (erf)  }
0x8d: {  	_ = 	snop  }
0x8e: {  	v7 =	vmul.f32 $1.442695020e+00, v7  }
0x8f: {  	v8 =	vsub.f32 $0.0e+00, v8;
	(erf) = vpow2.f32 v10;
	v0 =	vadd.f32 v2, v0  }
0x90: {  	v39 =	vsub.f32 $0.0e+00, v9;
	(erf) = vrcp.f32 v11;
	v1 =	vadd.f32 v3, v1  }
0x91: {  	v40 =	vmul.f32 $1.442695020e+00, v8;
	v0 =	vsub.f32 $0.0e+00, v0;
	v4 =	vadd.f32 v6, v4  }
0x92: {  	(erf) = vpow2.f32 v7;
	v2 =	vmul.f32 $1.442695020e+00, v39;
	v1 =	vsub.f32 $0.0e+00, v1  }
0x93: {  	(erf) = vpow2.f32 v40;
	v0 =	vmul.f32 $1.442695020e+00, v0;
	v41 =	vsub.f32 $0.0e+00, v4  }
0x94: {  	(erf) = vpow2.f32 v2;
	v1 =	vmul.f32 $1.442695020e+00, v1  }
0x95: {  	(erf) = vpow2.f32 v0;
	v42 =	vmul.f32 $1.442695020e+00, v41  }
0x96: {  	(erf) = vpow2.f32 v1  }
0x97: {  	(erf) = vpow2.f32 v42  }
0x98: {  	v43 =	vpop (erf)  }
0x99: {  	v44 =	vpop (erf)  }
0x9a: {  	v45 =	vpop (erf)  }
0x9b: {  	v1 =	vadd.f32 $1.000000000e+00, v44;
	v46 =	vpop (erf)  }
0x9c: {  	v3 =	vadd.f32 $1.000000000e+00, v46;
	v47 =	vpop (erf)  }
0x9d: {  	(erf) = vrcp.f32 v1;
	v48 =	vadd.f32 $1.000000000e+00, v47;
	v49 =	vpop (erf)  }
0x9e: {  	(erf) = vrcp.f32 v3;
	v50 =	vadd.f32 $1.000000000e+00, v49;
	v51 =	vpop (erf)  }
0x9f: {  	(erf) = vrcp.f32 v48;
	v52 =	vadd.f32 $1.000000000e+00, v51;
	v53 =	vpop (erf)  }
0xa0: {  	(erf) = vrcp.f32 v50;
	v54 =	vadd.f32 $1.000000000e+00, v53;
	v55 =	vpop (erf)  }
0xa1: {  	(erf) = vrcp.f32 v52;
	v56 =	vadd.f32 $1.000000000e+00, v55  }
0xa2: {  	(erf) = vrcp.f32 v54  }
0xa3: {  	(erf) = vrcp.f32 v56  }
0xa4: {  	[tilespmem:s16+$0x10] =	vst v5  }
0xa5: {  	s31 =	sadd.s32 $0x80, s16;
	[tilespmem:s16+$0x20] =	vst v43  }
0xa6: {  	[tilespmem:s31+$0x30] =	vst v45;
	v57 =	vpop (erf)  }
0xa7: {  	[tilespmem:s31+$0xFFFFFFD0] =	vst v57;
	v58 =	vpop (erf)  }
0xa8: {  	[tilespmem:s31+$0xFFFFFFE0] =	vst v58;
	v59 =	vpop (erf)  }
.Ltmp3:
0xa9: {  	[tilespmem:s31+$0xFFFFFFF0] =	vst v59;
	v60 =	vpop (erf);
	(pc) =	sbr.rel @p0 .LBB2_5-.Ltmp3, $4  }
0xaa: {  	[tilespmem:s31+$0xFFFFFFC0] =	vst v60;
	v61 =	vpop (erf)  }
0xab: {  	[tilespmem:s31+$0x0] =	vst v61;
	v62 =	vpop (erf)  }
0xac: {  	[tilespmem:s31+$0x10] =	vst v62;
	v63 =	vpop (erf)  }
0xad: {  	[tilespmem:s31+$0x20] =	vst v63  }
0xae: {  	v0 =	vld [tilespmem:$0x7600]  }
0xaf: {  	v1 =	vld [tilespmem:$0x7680];
	_ =	sdelay $0x6  }
0xb0: {  	v0 =	vld.idx.msk [tilespmem:v0+s1+$0x0], $0xffff  }
0xb1: {  	v1 =	vld.idx.msk [tilespmem:v1+s9+$0x0], $0xffff;
	_ =	sdelay $0x3  }
0xb2: {  	v2 =	vld [tilespmem:$0x7610]  }
0xb3: {  	v39 =	vld [tilespmem:$0x7690];
	v0 =	vadd.f32 v1, v0;
	_ =	sdelay $0x1  }
0xb4: {  	v0 =	vsub.f32 $0.0e+00, v0;
	_ =	sdelay $0x1  }
0xb5: {  	v0 =	vmul.f32 $1.442695020e+00, v0;
	_ =	sdelay $0x1  }
0xb6: {  	(erf) = vpow2.f32 v0  }
0xb7: {  	v40 =	vld.idx.msk [tilespmem:v2+s1+$0x0], $0xffff  }
0xb8: {  	v1 =	vld.idx.msk [tilespmem:v39+s9+$0x0], $0xffff;
	_ =	sdelay $0x3  }
0xb9: {  	v41 =	vld [tilespmem:$0x7620]  }
0xba: {  	v42 =	vld [tilespmem:$0x76A0];
	v0 =	vadd.f32 v1, v40;
	_ =	sdelay $0x1  }
0xbb: {  	v0 =	vsub.f32 $0.0e+00, v0;
	v3 =	vpop (erf)  }
0xbc: {  	v3 =	vadd.f32 $1.000000000e+00, v3  }
0xbd: {  	v0 =	vmul.f32 $1.442695020e+00, v0  }
0xbe: {  	(erf) = vrcp.f32 v3  }
0xbf: {  	(erf) = vpow2.f32 v0  }
0xc0: {  	v43 =	vld.idx.msk [tilespmem:v41+s1+$0x0], $0xffff  }
0xc1: {  	v1 =	vld.idx.msk [tilespmem:v42+s9+$0x0], $0xffff;
	_ =	sdelay $0x3  }
0xc2: {  	v44 =	vld [tilespmem:$0x7630]  }
0xc3: {  	v45 =	vld [tilespmem:$0x76B0];
	v0 =	vadd.f32 v1, v43  }
0xc4: {  	v3 =	vpop (erf)  }
0xc5: {  	v0 =	vsub.f32 $0.0e+00, v0;
	v4 =	vpop (erf)  }
0xc6: {  	v4 =	vadd.f32 $1.000000000e+00, v4  }
0xc7: {  	v0 =	vmul.f32 $1.442695020e+00, v0  }
0xc8: {  	(erf) = vrcp.f32 v4  }
0xc9: {  	(erf) = vpow2.f32 v0  }
0xca: {  	v46 =	vld.idx.msk [tilespmem:v44+s1+$0x0], $0xffff  }
0xcb: {  	v1 =	vld.idx.msk [tilespmem:v45+s9+$0x0], $0xffff;
	_ =	sdelay $0x3  }
0xcc: {  	v47 =	vld [tilespmem:$0x7640]  }
0xcd: {  	v48 =	vld [tilespmem:$0x76C0];
	v0 =	vadd.f32 v1, v46  }
0xce: {  	v4 =	vpop (erf)  }
0xcf: {  	v0 =	vsub.f32 $0.0e+00, v0;
	v5 =	vpop (erf)  }
0xd0: {  	v5 =	vadd.f32 $1.000000000e+00, v5  }
0xd1: {  	v0 =	vmul.f32 $1.442695020e+00, v0  }
0xd2: {  	(erf) = vrcp.f32 v5  }
0xd3: {  	(erf) = vpow2.f32 v0  }
0xd4: {  	v49 =	vld.idx.msk [tilespmem:v47+s1+$0x0], $0xffff  }
0xd5: {  	v1 =	vld.idx.msk [tilespmem:v48+s9+$0x0], $0xffff;
	_ =	sdelay $0x3  }
0xd6: {  	v50 =	vld [tilespmem:$0x7650]  }
0xd7: {  	v51 =	vld [tilespmem:$0x76D0];
	v0 =	vadd.f32 v1, v49  }
0xd8: {  	v5 =	vpop (erf)  }
0xd9: {  	v0 =	vsub.f32 $0.0e+00, v0;
	v6 =	vpop (erf)  }
0xda: {  	v6 =	vadd.f32 $1.000000000e+00, v6  }
0xdb: {  	v0 =	vmul.f32 $1.442695020e+00, v0  }
0xdc: {  	(erf) = vrcp.f32 v6  }
0xdd: {  	(erf) = vpow2.f32 v0  }
0xde: {  	v52 =	vld.idx.msk [tilespmem:v50+s1+$0x0], $0xffff  }
0xdf: {  	v1 =	vld.idx.msk [tilespmem:v51+s9+$0x0], $0xffff;
	_ =	sdelay $0x3  }
0xe0: {  	v53 =	vld [tilespmem:$0x7660]  }
0xe1: {  	v54 =	vld [tilespmem:$0x76E0];
	v0 =	vadd.f32 v1, v52  }
0xe2: {  	v6 =	vpop (erf)  }
0xe3: {  	v0 =	vsub.f32 $0.0e+00, v0;
	v7 =	vpop (erf)  }
0xe4: {  	v7 =	vadd.f32 $1.000000000e+00, v7  }
0xe5: {  	v0 =	vmul.f32 $1.442695020e+00, v0  }
0xe6: {  	(erf) = vrcp.f32 v7  }
0xe7: {  	(erf) = vpow2.f32 v0  }
0xe8: {  	v55 =	vld.idx.msk [tilespmem:v53+s1+$0x0], $0xffff  }
0xe9: {  	v1 =	vld.idx.msk [tilespmem:v54+s9+$0x0], $0xffff;
	_ =	sdelay $0x3  }
0xea: {  	v56 =	vld [tilespmem:$0x7670]  }
0xeb: {  	v57 =	vld [tilespmem:$0x76F0];
	v0 =	vadd.f32 v1, v55  }
0xec: {  	v7 =	vpop (erf)  }
0xed: {  	v0 =	vsub.f32 $0.0e+00, v0;
	v8 =	vpop (erf)  }
0xee: {  	v8 =	vadd.f32 $1.000000000e+00, v8  }
0xef: {  	v0 =	vmul.f32 $1.442695020e+00, v0  }
0xf0: {  	(erf) = vrcp.f32 v8  }
0xf1: {  	(erf) = vpow2.f32 v0  }
0xf2: {  	v58 =	vld.idx.msk [tilespmem:v56+s1+$0x0], $0xffff  }
0xf3: {  	v1 =	vld.idx.msk [tilespmem:v57+s9+$0x0], $0xffff;
	_ =	sdelay $0x4  }
0xf4: {  	v0 =	vadd.f32 v1, v58  }
0xf5: {  	v59 =	vpop (erf)  }
0xf6: {  	v0 =	vsub.f32 $0.0e+00, v0;
	v60 =	vpop (erf)  }
0xf7: {  	v2 =	vadd.f32 $1.000000000e+00, v60  }
0xf8: {  	v0 =	vmul.f32 $1.442695020e+00, v0  }
0xf9: {  	(erf) = vrcp.f32 v2  }
0xfa: {  	(erf) = vpow2.f32 v0;
	_ =	sdelay $0x7  }
0xfb: {  	v61 =	vpop (erf)  }
0xfc: {  	v62 =	vpop (erf)  }
0xfd: {  	v2 =	vadd.f32 $1.000000000e+00, v62;
	_ =	sdelay $0x1  }
0xfe: {  	(erf) = vrcp.f32 v2;
	_ =	sdelay $0x2  }
0xff: {  	[tilespmem:$0x8A80] =	vst v3  }
0x100: {  	[tilespmem:$0x8A90] =	vst v4  }
0x101: {  	[tilespmem:$0x8AA0] =	vst v5  }
0x102: {  	[tilespmem:$0x8AB0] =	vst v6  }
0x103: {  	[tilespmem:$0x8AC0] =	vst v7  }
0x104: {  	[tilespmem:$0x8AD0] =	vst v59  }
0x105: {  	[tilespmem:$0x8AE0] =	vst v61;
	v63 =	vpop (erf)  }
0x106: {  	[tilespmem:$0x8AF0] =	vst v63  }
0x107: {  	[hbm4b:s6+s1] =	stream.linear.scatter [tilespmem:s12], [sflag:$0x2], $0x1380, $0x38;
	[tilespmem:$0x8B00] =	vst v63  }
0x108: {  	_ =	swait.ge [sflag:s13], $0x1380  }
0x109: {  	[sflag:s13] =	ssyncset.done $0x0  }
.Ltmp4:
0x10a: {  	[sflag:s13] =	ssyncadd.s32 $0xFFFFEC80;
	(pc) =	sbr.rel .LBB2_6-.Ltmp4, $4  }
0x10b: {  	[hbm4b:s7+s1] =	stream.linear.scatter [tilespmem:s14], [sflag:$0x2], $0x80, $0x38;
	[tilespmem:$0x8B00] =	vst v63  }
0x10c: {  	_ =	swait.ge [sflag:s13], $0x80  }
0x10d: {  	[sflag:s13] =	ssyncset.done $0x0  }
0x10e: {  	[sflag:s13] =	ssyncadd.s32 $0xFFFFFF80  }
.LBB2_7:
0x10f: {  	_ =	sfence.sel $0x180000  }
0x110: {  	[bflag:$0x0] =	sbarrier.arrive $0xFFFF  }
0x111: {  	_ =	strace $0x90000047  }
0x112: {  	s0 =	sadd.s32 @!p0 $0x100000, s0;
	[bflag:$0x2] =	sbarrier.arrive $0xFFFF  }
0x113: {  	[sflag:s0] =	ssyncadd.tile.s32 @!p0 $0x1;
	_ =	shalt  }
.Lfunc_end2:
_tile_overlayer_lowered:
.L_overlay_start_2:
0x114: {  	(tag) =	ssettag $0x2  }
0x115: {  	s0 =	rddreg [dreg:$0x0];
	s2 =	stileid.u32  }
0x116: {  	s1 =	rddreg [dreg:$0x1];
	p0 =	sne.s32 s2, $0x0  }
0x117: {  	s3 =	rddreg [dreg:$0x2];
	[bflag:$0x3] =	sbarrier.arrive $0xFFFF;
	s2 =	simm.s32 @!p0 $0x1C02  }
0x118: {  	[timem:s3], [sflag:s2] =	dma.local @!p0 [hbm:s0], s1  }
0x119: {  	s0 =	simm.s32 @!p0 $0x2  }
0x11a: {  	_ =	swait.ge @!p0 [sflag:s0], s1  }
0x11b: {  	s1 =	ssub.s32 @!p0 $0x0, s1;
	[sflag:s0] =	ssyncset.done @!p0 $0x0  }
0x11c: {  	[sflag:s0] =	ssyncadd.s32 @!p0 s1  }
0x11d: {  	[bflag:$0x3] =	sbarrier.arrive $0xFFFF  }
0x11e: {  	_ =	shalt  }

</sc_bundles>
